<compile_context>
chip_gen: v7x
topology: tpu7x:2x2x1
jax: 0.10.2.dev20260603
libtpu: 0.0.44.dev20260713+nightly
codegen_flags: <defaults>
</compile_context>

<pallas_src>
import functools

import jax
import jax.numpy as jnp
from jax import lax
from jax.experimental import pallas as pl
from jax.experimental.pallas import tpu as pltpu
from jax.experimental.pallas import tpu_sc as plsc

D_E = 16
KC = 10
ZR = 1000
BR = 1000


def _sc_segment_sum(ei3d, edge_attr, n_nodes):
    n_edges = edge_attr.shape[0]
    n_chunks = n_edges // (KC * 128)
    n_zchunks = n_nodes // ZR
    mesh = plsc.VectorSubcoreMesh(core_axis_name="c", subcore_axis_name="s")

    @functools.partial(
        pl.kernel,
        mesh=mesh,
        compiler_params=pltpu.CompilerParams(use_tc_tiling_on_sc=False),
        out_type=jax.ShapeDtypeStruct((2, n_nodes, D_E), jnp.float32),
        scratch_types=[
            pltpu.VMEM((KC, 128), jnp.int32),
            pltpu.VMEM((KC * 128, D_E), jnp.float32),
            pltpu.VMEM((ZR, D_E), jnp.float32),
            pltpu.VMEM_SHARED((n_nodes, D_E), jnp.float32),
        ],
    )
    def seg_kernel(dst_hbm, attr_hbm, out_hbm, idx_v, attr_v, zero_v, table):
        cid = lax.axis_index("c")
        sid = lax.axis_index("s")
        wid = cid * 16 + sid

        @pl.loop(0, ZR)
        def _(i):
            zero_v[i, :] = jnp.zeros((D_E,), jnp.float32)

        @pl.loop(sid, n_zchunks, step=16)
        def _(c):
            pltpu.sync_copy(zero_v, table.at[pl.ds(c * ZR, ZR)])

        plsc.subcore_barrier()

        @pl.loop(wid, n_chunks, step=32)
        def _(c):
            row0 = c * KC
            pltpu.sync_copy(dst_hbm.at[1, pl.ds(row0, KC)], idx_v)
            pltpu.sync_copy(attr_hbm.at[pl.ds(row0 * 128, KC * 128)], attr_v)

            @pl.loop(0, KC)
            def _(j):
                pltpu.sync_copy(
                    attr_v.at[pl.ds(j * 128, 128)],
                    table.at[idx_v.at[j]],
                    add=True,
                )

        plsc.subcore_barrier()

        @pl.loop(sid, n_zchunks, step=16)
        def _(c):
            pltpu.sync_copy(
                table.at[pl.ds(c * ZR, ZR)],
                out_hbm.at[cid, pl.ds(c * ZR, ZR)],
            )

    return seg_kernel(ei3d, edge_attr)


def _mlp_body(x_ref, agg_ref, u_ref, b_ref, w1_ref, b1_ref, w2_ref, b2_ref,
              w3_ref, b3_ref, o_ref):
    agg = agg_ref[0] + agg_ref[1]
    bv = b_ref[0, 0, :]
    onehot = (bv[:, None] == lax.broadcasted_iota(jnp.int32, (BR, 64), 1))
    ub = jnp.dot(onehot.astype(jnp.float32), u_ref[...],
                 preferred_element_type=jnp.float32)
    w1 = w1_ref[...]
    h = (jnp.dot(x_ref[...], w1[:128], preferred_element_type=jnp.float32)
         + jnp.dot(agg, w1[128:144], preferred_element_type=jnp.float32)
         + jnp.dot(ub, w1[144:176], preferred_element_type=jnp.float32)
         + b1_ref[...])
    h = jnp.maximum(h, 0.0)
    h = jnp.dot(h, w2_ref[...], preferred_element_type=jnp.float32) + b2_ref[...]
    h = jnp.maximum(h, 0.0)
    o_ref[...] = (jnp.dot(h, w3_ref[...], preferred_element_type=jnp.float32)
                  + b3_ref[...])


def _tc_mlp(x, agg2, u, batch3d, W1, b1, W2, b2, W3, b3):
    n, d_x = x.shape
    d_out = W3.shape[1]
    grid = (n // BR,)
    return pl.pallas_call(
        _mlp_body,
        grid=grid,
        in_specs=[
            pl.BlockSpec((BR, d_x), lambda i: (i, 0)),
            pl.BlockSpec((2, BR, D_E), lambda i: (0, i, 0)),
            pl.BlockSpec(u.shape, lambda i: (0, 0)),
            pl.BlockSpec((1, 1, BR), lambda i: (i, 0, 0)),
            pl.BlockSpec(W1.shape, lambda i: (0, 0)),
            pl.BlockSpec(b1.shape, lambda i: (0, 0)),
            pl.BlockSpec(W2.shape, lambda i: (0, 0)),
            pl.BlockSpec(b2.shape, lambda i: (0, 0)),
            pl.BlockSpec(W3.shape, lambda i: (0, 0)),
            pl.BlockSpec(b3.shape, lambda i: (0, 0)),
        ],
        out_specs=pl.BlockSpec((BR, d_out), lambda i: (i, 0)),
        out_shape=jax.ShapeDtypeStruct((n, d_out), jnp.float32),
    )(x, agg2, u, batch3d, W1, b1, W2, b2, W3, b3)


def kernel(x, edge_index, edge_attr, u, batch, W1, b1, W2, b2, W3, b3):
    n = x.shape[0]
    e = edge_attr.shape[0]
    ei3d = edge_index.astype(jnp.int32).reshape(2, e // 128, 128)
    batch3d = batch.astype(jnp.int32).reshape(n // BR, 1, BR)
    agg2 = _sc_segment_sum(ei3d, edge_attr, n)
    return _tc_mlp(x, agg2, u, batch3d, W1,
                   b1.reshape(1, -1), W2, b2.reshape(1, -1),
                   W3, b3.reshape(1, -1))

# --- scband reference (transcript-rebuilt; emitter-appended) ---
"""Pipeline reference for scband-node-model-8461085573690 (READ-ONLY COPY).

The authoritative reference and input builder live on the scoring server;
editing this copy changes nothing except your own understanding.
"""

import jax, jax.numpy as jnp
import numpy as np

N = 50000
E = 1600000
D_X = 128
D_E = 16
D_U = 32
N_GRAPHS = 64
D_IN = D_X + D_E + D_U  # 176
D_H = 256
D_OUT = 128


def setup_inputs(seed: int = 0) -> dict:
    key = jax.random.key(seed)
    ks = [jax.random.fold_in(key, i) for i in range(12)]
    x = jax.random.normal(ks[0], (N, D_X), dtype=jnp.float32)
    edge_index = jax.random.randint(ks[1], (2, E), 0, N, dtype=jnp.int64)
    edge_attr = jax.random.normal(ks[2], (E, D_E), dtype=jnp.float32)
    u = jax.random.normal(ks[3], (N_GRAPHS, D_U), dtype=jnp.float32)
    batch = jnp.sort(jax.random.randint(ks[4], (N,), 0, N_GRAPHS, dtype=jnp.int64))
    # Linear params (stored as [in, out], equivalent to torch W.T)
    s1 = 1.0 / np.sqrt(D_IN)
    s2 = 1.0 / np.sqrt(D_H)
    W1 = jax.random.uniform(ks[5], (D_IN, D_H), minval=-s1, maxval=s1, dtype=jnp.float32)
    b1 = jax.random.uniform(ks[6], (D_H,), minval=-s1, maxval=s1, dtype=jnp.float32)
    W2 = jax.random.uniform(ks[7], (D_H, D_H), minval=-s2, maxval=s2, dtype=jnp.float32)
    b2 = jax.random.uniform(ks[8], (D_H,), minval=-s2, maxval=s2, dtype=jnp.float32)
    W3 = jax.random.uniform(ks[9], (D_H, D_OUT), minval=-s2, maxval=s2, dtype=jnp.float32)
    b3 = jax.random.uniform(ks[10], (D_OUT,), minval=-s2, maxval=s2, dtype=jnp.float32)
    return {"x": x, "edge_index": edge_index, "edge_attr": edge_attr, "u": u, "batch": batch,
            "W1": W1, "b1": b1, "W2": W2, "b2": b2, "W3": W3, "b3": b3}


def reference(x, edge_index, edge_attr, u, batch, W1, b1, W2, b2, W3, b3):
    edge_dst = edge_index[1]
    # torch_scatter.scatter_add(edge_attr, edge_dst, dim=0, dim_size=N)
    edge_attr_aggregated = jax.ops.segment_sum(edge_attr, edge_dst, num_segments=x.shape[0])
    model_input = jnp.concatenate([x, edge_attr_aggregated, u[batch]], axis=1)
    h = jax.nn.relu(model_input @ W1 + b1)
    h = jax.nn.relu(h @ W2 + b2)
    out = h @ W3 + b3
    return out

if __name__ == "__main__":
    import jax
    _d = setup_inputs()
    print(jax.jit(kernel)(*tuple(_d.values())))

</pallas_src>

<mosaic_0001>
#map = affine_map<(d0, d1) -> (0, 0, 0)>
#map1 = affine_map<(d0, d1) -> (0, 0)>
module attributes {stable_mosaic.version = 14 : i64} {
  func.func @seg_kernel(%arg0: i32, %arg1: i32, %arg2: memref<2x12500x128xi32, #tpu.memory_space<hbm>>, %arg3: memref<1600000x16xf32, #tpu.memory_space<hbm>>, %arg4: memref<2x50000x16xf32, #tpu.memory_space<hbm>>, %arg5: memref<10x128xi32, #tpu.memory_space<vmem>>, %arg6: memref<1280x16xf32, #tpu.memory_space<vmem>>, %arg7: memref<1000x16xf32, #tpu.memory_space<vmem>>, %arg8: memref<50000x16xf32, #tpu.memory_space<vmem_shared>>) attributes {dimension_semantics = [#tpu.dimension_semantics<core_parallel>, #tpu.dimension_semantics<subcore_parallel>], iteration_bounds = array<i64: 2, 16>, scalar_prefetch = 0 : i64, scratch_operands = 4 : i64, tpu.core_type = #tpu.core_type<sc_vector_subcore>, window_params = [{transform_indices = #map}, {transform_indices = #map1}, {transform_indices = #map}]} {
    %mul3A = arith.constant 16 : i32
    %mul3A_0 = arith.muli %arg0, %mul3A : i32
    %add3A = arith.addi %mul3A_0, %arg1 : i32
    %scan3A = arith.constant 0 : i32
    %scan3A_1 = arith.constant 1000 : i32
    %scan3A_2 = arith.addi %scan3A, %scan3A_1 : i32
    %scan3A_3 = arith.constant 1 : i32
    scf.for %scan3A_57 = %scan3A to %scan3A_2 step %scan3A_3  : i32 {
      %mul3A_58 = arith.constant 1 : i32
      %mul3A_59 = arith.muli %scan3A_57, %mul3A_58 : i32
      %add3A_60 = arith.constant 0 : i32
      %add3A_61 = arith.addi %add3A_60, %mul3A_59 : i32
      %broadcast_in_dim3A = arith.constant 0.000000e+00 : f32
      %broadcast_in_dim3A_62 = vector.broadcast %broadcast_in_dim3A : f32 to vector<16xf32>
      %swap3A = arith.index_cast %add3A_61 : i32 to index
      %swap3A_63 = arith.constant 0 : index
      %swap3A_64 = tpu.vector_load %arg7[%swap3A, %swap3A_63] {strides = array<i32>} : memref<1000x16xf32, #tpu.memory_space<vmem>>, vector<1x16xf32>,
      %swap3A_65 = vector.shape_cast %swap3A_64 : vector<1x16xf32> to vector<16xf32>
      %swap3A_66 = vector.shape_cast %broadcast_in_dim3A_62 : vector<16xf32> to vector<1x16xf32>
      tpu.vector_store %arg7[%swap3A, %swap3A_63], %swap3A_66 {strides = array<i32>} : memref<1000x16xf32, #tpu.memory_space<vmem>>, vector<1x16xf32>,
    }
    %scan3A_4 = arith.constant 1000 : i32
    %sub3A = arith.constant 50 : i32
    %sub3A_5 = arith.subi %sub3A, %arg1 : i32
    %sub3A_6 = arith.constant 16 : i32
    %sub3A_7 = arith.constant 1 : i32
    %sub3A_8 = arith.subi %sub3A_6, %sub3A_7 : i32
    %add3A_9 = arith.addi %sub3A_5, %sub3A_8 : i32
    %div3A = arith.constant 16 : i32
    %div3A_10 = arith.divsi %add3A_9, %div3A : i32
    %while3A = arith.constant 16 : i32
    %while3A_11 = arith.constant 0 : i32
    %while3A_12 = arith.subi %div3A_10, %while3A_11 : i32
    %while3A_13 = arith.addi %while3A_11, %while3A_12 : i32
    %while3A_14 = arith.constant 1 : i32
    %while3A_15 = arith.divsi %while3A_12, %while3A_14 : i32
    %while3A_16 = arith.muli %while3A_15, %while3A_14 : i32
    %while3A_17 = arith.addi %while3A_11, %while3A_16 : i32
    %while3A_18 = arith.constant 1 : i32
    scf.for %while3A_57 = %while3A_11 to %while3A_17 step %while3A_18  : i32 {
      %mul3A_58 = arith.muli %while3A_57, %while3A : i32
      %add3A_59 = arith.addi %arg1, %mul3A_58 : i32
      %mul3A_60 = arith.constant 1000 : i32
      %mul3A_61 = arith.muli %add3A_59, %mul3A_60 : i32
      "tpu.region"() ({
        %run_scoped3A = tpu.sem_alloc : memref<!tpu.dma_semaphore, #tpu.memory_space<semaphore_mem>>
        %dma_start3A = arith.constant 0 : i32
        %dma_start3A_62 = tpu.memref_slice %arg8[%mul3A_61, %dma_start3A] : memref<50000x16xf32, #tpu.memory_space<vmem_shared>> -> memref<1000x16xf32, #tpu.memory_space<vmem_shared>>
        %dma_start3A_63 = arith.constant 0 : i32
        %dma_start3A_64 = tpu.memref_slice %arg8[%mul3A_61, %dma_start3A_63] : memref<50000x16xf32, #tpu.memory_space<vmem_shared>> -> memref<1000x16xf32, #tpu.memory_space<vmem_shared>>
        tpu.enqueue_dma source(%arg7 : memref<1000x16xf32, #tpu.memory_space<vmem>>) target(%dma_start3A_64 : memref<1000x16xf32, #tpu.memory_space<vmem_shared>>) target_semaphore(%run_scoped3A : memref<!tpu.dma_semaphore, #tpu.memory_space<semaphore_mem>>)
        %dma_wait3A = arith.constant 0 : i32
        %dma_wait3A_65 = tpu.memref_slice %arg8[%mul3A_61, %dma_wait3A] : memref<50000x16xf32, #tpu.memory_space<vmem_shared>> -> memref<1000x16xf32, #tpu.memory_space<vmem_shared>>
        %dma_wait3A_66 = arith.constant 0 : i32
        %dma_wait3A_67 = tpu.memref_slice %arg8[%mul3A_61, %dma_wait3A_66] : memref<50000x16xf32, #tpu.memory_space<vmem_shared>> -> memref<1000x16xf32, #tpu.memory_space<vmem_shared>>
        tpu.wait_dma2 semaphore(%run_scoped3A : memref<!tpu.dma_semaphore, #tpu.memory_space<semaphore_mem>>) src(%arg7 : memref<1000x16xf32, #tpu.memory_space<vmem>>) dst(%dma_wait3A_67 : memref<1000x16xf32, #tpu.memory_space<vmem_shared>>)
        tpu.yield
      }) : () -> ()
    }
    %while3A_19 = arith.constant 1 : i32
    scf.for %while3A_57 = %while3A_17 to %while3A_13 step %while3A_19  : i32 {
      %mul3A_58 = arith.muli %while3A_57, %while3A : i32
      %add3A_59 = arith.addi %arg1, %mul3A_58 : i32
      %mul3A_60 = arith.constant 1000 : i32
      %mul3A_61 = arith.muli %add3A_59, %mul3A_60 : i32
      "tpu.region"() ({
        %run_scoped3A = tpu.sem_alloc : memref<!tpu.dma_semaphore, #tpu.memory_space<semaphore_mem>>
        %dma_start3A = arith.constant 0 : i32
        %dma_start3A_62 = tpu.memref_slice %arg8[%mul3A_61, %dma_start3A] : memref<50000x16xf32, #tpu.memory_space<vmem_shared>> -> memref<1000x16xf32, #tpu.memory_space<vmem_shared>>
        %dma_start3A_63 = arith.constant 0 : i32
        %dma_start3A_64 = tpu.memref_slice %arg8[%mul3A_61, %dma_start3A_63] : memref<50000x16xf32, #tpu.memory_space<vmem_shared>> -> memref<1000x16xf32, #tpu.memory_space<vmem_shared>>
        tpu.enqueue_dma source(%arg7 : memref<1000x16xf32, #tpu.memory_space<vmem>>) target(%dma_start3A_64 : memref<1000x16xf32, #tpu.memory_space<vmem_shared>>) target_semaphore(%run_scoped3A : memref<!tpu.dma_semaphore, #tpu.memory_space<semaphore_mem>>)
        %dma_wait3A = arith.constant 0 : i32
        %dma_wait3A_65 = tpu.memref_slice %arg8[%mul3A_61, %dma_wait3A] : memref<50000x16xf32, #tpu.memory_space<vmem_shared>> -> memref<1000x16xf32, #tpu.memory_space<vmem_shared>>
        %dma_wait3A_66 = arith.constant 0 : i32
        %dma_wait3A_67 = tpu.memref_slice %arg8[%mul3A_61, %dma_wait3A_66] : memref<50000x16xf32, #tpu.memory_space<vmem_shared>> -> memref<1000x16xf32, #tpu.memory_space<vmem_shared>>
        tpu.wait_dma2 semaphore(%run_scoped3A : memref<!tpu.dma_semaphore, #tpu.memory_space<semaphore_mem>>) src(%arg7 : memref<1000x16xf32, #tpu.memory_space<vmem>>) dst(%dma_wait3A_67 : memref<1000x16xf32, #tpu.memory_space<vmem_shared>>)
        tpu.yield
      }) : () -> ()
    }
    %barrier3A = arith.constant 0 : index
    tpu.barrier barrier_id(%barrier3A)
    %sub3A_20 = arith.constant 1250 : i32
    %sub3A_21 = arith.subi %sub3A_20, %add3A : i32
    %sub3A_22 = arith.constant 32 : i32
    %sub3A_23 = arith.constant 1 : i32
    %sub3A_24 = arith.subi %sub3A_22, %sub3A_23 : i32
    %add3A_25 = arith.addi %sub3A_21, %sub3A_24 : i32
    %div3A_26 = arith.constant 32 : i32
    %div3A_27 = arith.divsi %add3A_25, %div3A_26 : i32
    %while3A_28 = arith.constant 32 : i32
    %while3A_29 = arith.constant 0 : i32
    %while3A_30 = arith.subi %div3A_27, %while3A_29 : i32
    %while3A_31 = arith.addi %while3A_29, %while3A_30 : i32
    %while3A_32 = arith.constant 1 : i32
    %while3A_33 = arith.divsi %while3A_30, %while3A_32 : i32
    %while3A_34 = arith.muli %while3A_33, %while3A_32 : i32
    %while3A_35 = arith.addi %while3A_29, %while3A_34 : i32
    %while3A_36 = arith.constant 1 : i32
    scf.for %while3A_57 = %while3A_29 to %while3A_35 step %while3A_36  : i32 {
      %mul3A_58 = arith.muli %while3A_57, %while3A_28 : i32
      %add3A_59 = arith.addi %add3A, %mul3A_58 : i32
      %mul3A_60 = arith.constant 10 : i32
      %mul3A_61 = arith.muli %add3A_59, %mul3A_60 : i32
      %run_scoped3A = arith.constant 1 : i32
      "tpu.region"() ({
        %run_scoped3A_69 = tpu.sem_alloc : memref<!tpu.dma_semaphore, #tpu.memory_space<semaphore_mem>>
        %dma_start3A = arith.constant 0 : i32
        %dma_start3A_70 = tpu.memref_slice %arg2[%run_scoped3A, %mul3A_61, %dma_start3A] : memref<2x12500x128xi32, #tpu.memory_space<hbm>> -> memref<1x10x128xi32, #tpu.memory_space<hbm>>
        %dma_start3A_71 = tpu.memref_squeeze %dma_start3A_70 : memref<1x10x128xi32, #tpu.memory_space<hbm>> -> memref<10x128xi32, #tpu.memory_space<hbm>>
        %dma_start3A_72 = arith.constant 0 : i32
        %dma_start3A_73 = tpu.memref_slice %arg2[%run_scoped3A, %mul3A_61, %dma_start3A_72] : memref<2x12500x128xi32, #tpu.memory_space<hbm>> -> memref<1x10x128xi32, #tpu.memory_space<hbm>>
        %dma_start3A_74 = tpu.memref_squeeze %dma_start3A_73 : memref<1x10x128xi32, #tpu.memory_space<hbm>> -> memref<10x128xi32, #tpu.memory_space<hbm>>
        tpu.enqueue_dma source(%dma_start3A_74 : memref<10x128xi32, #tpu.memory_space<hbm>>) target(%arg5 : memref<10x128xi32, #tpu.memory_space<vmem>>) target_semaphore(%run_scoped3A_69 : memref<!tpu.dma_semaphore, #tpu.memory_space<semaphore_mem>>)
        %dma_wait3A = arith.constant 0 : i32
        %dma_wait3A_75 = tpu.memref_slice %arg2[%run_scoped3A, %mul3A_61, %dma_wait3A] : memref<2x12500x128xi32, #tpu.memory_space<hbm>> -> memref<1x10x128xi32, #tpu.memory_space<hbm>>
        %dma_wait3A_76 = tpu.memref_squeeze %dma_wait3A_75 : memref<1x10x128xi32, #tpu.memory_space<hbm>> -> memref<10x128xi32, #tpu.memory_space<hbm>>
        %dma_wait3A_77 = arith.constant 0 : i32
        %dma_wait3A_78 = tpu.memref_slice %arg2[%run_scoped3A, %mul3A_61, %dma_wait3A_77] : memref<2x12500x128xi32, #tpu.memory_space<hbm>> -> memref<1x10x128xi32, #tpu.memory_space<hbm>>
        %dma_wait3A_79 = tpu.memref_squeeze %dma_wait3A_78 : memref<1x10x128xi32, #tpu.memory_space<hbm>> -> memref<10x128xi32, #tpu.memory_space<hbm>>
        tpu.wait_dma2 semaphore(%run_scoped3A_69 : memref<!tpu.dma_semaphore, #tpu.memory_space<semaphore_mem>>) src(%dma_wait3A_79 : memref<10x128xi32, #tpu.memory_space<hbm>>) dst(%arg5 : memref<10x128xi32, #tpu.memory_space<vmem>>)
        tpu.yield
      }) : () -> ()
      %mul3A_62 = arith.constant 128 : i32
      %mul3A_63 = arith.muli %mul3A_61, %mul3A_62 : i32
      "tpu.region"() ({
        %run_scoped3A_69 = tpu.sem_alloc : memref<!tpu.dma_semaphore, #tpu.memory_space<semaphore_mem>>
        %dma_start3A = arith.constant 0 : i32
        %dma_start3A_70 = tpu.memref_slice %arg3[%mul3A_63, %dma_start3A] : memref<1600000x16xf32, #tpu.memory_space<hbm>> -> memref<1280x16xf32, #tpu.memory_space<hbm>>
        %dma_start3A_71 = arith.constant 0 : i32
        %dma_start3A_72 = tpu.memref_slice %arg3[%mul3A_63, %dma_start3A_71] : memref<1600000x16xf32, #tpu.memory_space<hbm>> -> memref<1280x16xf32, #tpu.memory_space<hbm>>
        tpu.enqueue_dma source(%dma_start3A_72 : memref<1280x16xf32, #tpu.memory_space<hbm>>) target(%arg6 : memref<1280x16xf32, #tpu.memory_space<vmem>>) target_semaphore(%run_scoped3A_69 : memref<!tpu.dma_semaphore, #tpu.memory_space<semaphore_mem>>)
        %dma_wait3A = arith.constant 0 : i32
        %dma_wait3A_73 = tpu.memref_slice %arg3[%mul3A_63, %dma_wait3A] : memref<1600000x16xf32, #tpu.memory_space<hbm>> -> memref<1280x16xf32, #tpu.memory_space<hbm>>
        %dma_wait3A_74 = arith.constant 0 : i32
        %dma_wait3A_75 = tpu.memref_slice %arg3[%mul3A_63, %dma_wait3A_74] : memref<1600000x16xf32, #tpu.memory_space<hbm>> -> memref<1280x16xf32, #tpu.memory_space<hbm>>
        tpu.wait_dma2 semaphore(%run_scoped3A_69 : memref<!tpu.dma_semaphore, #tpu.memory_space<semaphore_mem>>) src(%dma_wait3A_75 : memref<1280x16xf32, #tpu.memory_space<hbm>>) dst(%arg6 : memref<1280x16xf32, #tpu.memory_space<vmem>>)
        tpu.yield
      }) : () -> ()
      %scan3A_64 = arith.constant 0 : i32
      %scan3A_65 = arith.constant 10 : i32
      %scan3A_66 = arith.addi %scan3A_64, %scan3A_65 : i32
      %scan3A_67 = arith.constant 1 : i32
      scf.for %scan3A_69 = %scan3A_64 to %scan3A_66 step %scan3A_67  : i32 {
        %mul3A_70 = arith.constant 1 : i32
        %mul3A_71 = arith.muli %scan3A_69, %mul3A_70 : i32
        %add3A_72 = arith.constant 0 : i32
        %add3A_73 = arith.addi %add3A_72, %mul3A_71 : i32
        %mul3A_74 = arith.constant 128 : i32
        %mul3A_75 = arith.muli %add3A_73, %mul3A_74 : i32
        "tpu.region"() ({
          %run_scoped3A_76 = tpu.sem_alloc : memref<!tpu.dma_semaphore, #tpu.memory_space<semaphore_mem>>
          %dma_start3A = arith.constant 0 : i32
          %dma_start3A_77 = tpu.memref_slice %arg6[%mul3A_75, %dma_start3A] : memref<1280x16xf32, #tpu.memory_space<vmem>> -> memref<128x16xf32, #tpu.memory_space<vmem>>
          %dma_start3A_78 = arith.constant 0 : i32
          %dma_start3A_79 = tpu.memref_slice %arg5[%add3A_73, %dma_start3A_78] : memref<10x128xi32, #tpu.memory_space<vmem>> -> memref<1x128xi32, #tpu.memory_space<vmem>>
          %dma_start3A_80 = tpu.memref_squeeze %dma_start3A_79 : memref<1x128xi32, #tpu.memory_space<vmem>> -> memref<128xi32, #tpu.memory_space<vmem>>
          %dma_start3A_81 = arith.constant 0 : i32
          %dma_start3A_82 = arith.constant 0 : i32
          %dma_start3A_83 = tpu.memref_slice %arg8[%dma_start3A_81, %dma_start3A_82] : memref<50000x16xf32, #tpu.memory_space<vmem_shared>> -> memref<50000x16xf32, #tpu.memory_space<vmem_shared>>
          tpu.enqueue_indirect_dma source(%dma_start3A_77 : memref<128x16xf32, #tpu.memory_space<vmem>>) target(%dma_start3A_83 : memref<50000x16xf32, #tpu.memory_space<vmem_shared>>) offsets(%dma_start3A_80 : memref<128xi32, #tpu.memory_space<vmem>>) semaphore(%run_scoped3A_76 : memref<!tpu.dma_semaphore, #tpu.memory_space<semaphore_mem>>) {add = true}
          %dma_wait3A = arith.constant 0 : i32
          %dma_wait3A_84 = tpu.memref_slice %arg6[%mul3A_75, %dma_wait3A] : memref<1280x16xf32, #tpu.memory_space<vmem>> -> memref<128x16xf32, #tpu.memory_space<vmem>>
          %dma_wait3A_85 = arith.constant 0 : i32
          %dma_wait3A_86 = tpu.memref_slice %arg5[%add3A_73, %dma_wait3A_85] : memref<10x128xi32, #tpu.memory_space<vmem>> -> memref<1x128xi32, #tpu.memory_space<vmem>>
          %dma_wait3A_87 = tpu.memref_squeeze %dma_wait3A_86 : memref<1x128xi32, #tpu.memory_space<vmem>> -> memref<128xi32, #tpu.memory_space<vmem>>
          %dma_wait3A_88 = arith.constant 0 : i32
          %dma_wait3A_89 = arith.constant 0 : i32
          %dma_wait3A_90 = tpu.memref_slice %arg8[%dma_wait3A_88, %dma_wait3A_89] : memref<50000x16xf32, #tpu.memory_space<vmem_shared>> -> memref<50000x16xf32, #tpu.memory_space<vmem_shared>>
          tpu.wait_indirect_dma semaphore(%run_scoped3A_76 : memref<!tpu.dma_semaphore, #tpu.memory_space<semaphore_mem>>) src(%dma_wait3A_84 : memref<128x16xf32, #tpu.memory_space<vmem>>) dst(%dma_wait3A_90 : memref<50000x16xf32, #tpu.memory_space<vmem_shared>>)
          tpu.yield
        }) : () -> ()
      }
      %scan3A_68 = arith.constant 10 : i32
    }
    %while3A_37 = arith.constant 1 : i32
    scf.for %while3A_57 = %while3A_35 to %while3A_31 step %while3A_37  : i32 {
      %mul3A_58 = arith.muli %while3A_57, %while3A_28 : i32
      %add3A_59 = arith.addi %add3A, %mul3A_58 : i32
      %mul3A_60 = arith.constant 10 : i32
      %mul3A_61 = arith.muli %add3A_59, %mul3A_60 : i32
      %run_scoped3A = arith.constant 1 : i32
      "tpu.region"() ({
        %run_scoped3A_69 = tpu.sem_alloc : memref<!tpu.dma_semaphore, #tpu.memory_space<semaphore_mem>>
        %dma_start3A = arith.constant 0 : i32
        %dma_start3A_70 = tpu.memref_slice %arg2[%run_scoped3A, %mul3A_61, %dma_start3A] : memref<2x12500x128xi32, #tpu.memory_space<hbm>> -> memref<1x10x128xi32, #tpu.memory_space<hbm>>
        %dma_start3A_71 = tpu.memref_squeeze %dma_start3A_70 : memref<1x10x128xi32, #tpu.memory_space<hbm>> -> memref<10x128xi32, #tpu.memory_space<hbm>>
        %dma_start3A_72 = arith.constant 0 : i32
        %dma_start3A_73 = tpu.memref_slice %arg2[%run_scoped3A, %mul3A_61, %dma_start3A_72] : memref<2x12500x128xi32, #tpu.memory_space<hbm>> -> memref<1x10x128xi32, #tpu.memory_space<hbm>>
        %dma_start3A_74 = tpu.memref_squeeze %dma_start3A_73 : memref<1x10x128xi32, #tpu.memory_space<hbm>> -> memref<10x128xi32, #tpu.memory_space<hbm>>
        tpu.enqueue_dma source(%dma_start3A_74 : memref<10x128xi32, #tpu.memory_space<hbm>>) target(%arg5 : memref<10x128xi32, #tpu.memory_space<vmem>>) target_semaphore(%run_scoped3A_69 : memref<!tpu.dma_semaphore, #tpu.memory_space<semaphore_mem>>)
        %dma_wait3A = arith.constant 0 : i32
        %dma_wait3A_75 = tpu.memref_slice %arg2[%run_scoped3A, %mul3A_61, %dma_wait3A] : memref<2x12500x128xi32, #tpu.memory_space<hbm>> -> memref<1x10x128xi32, #tpu.memory_space<hbm>>
        %dma_wait3A_76 = tpu.memref_squeeze %dma_wait3A_75 : memref<1x10x128xi32, #tpu.memory_space<hbm>> -> memref<10x128xi32, #tpu.memory_space<hbm>>
        %dma_wait3A_77 = arith.constant 0 : i32
        %dma_wait3A_78 = tpu.memref_slice %arg2[%run_scoped3A, %mul3A_61, %dma_wait3A_77] : memref<2x12500x128xi32, #tpu.memory_space<hbm>> -> memref<1x10x128xi32, #tpu.memory_space<hbm>>
        %dma_wait3A_79 = tpu.memref_squeeze %dma_wait3A_78 : memref<1x10x128xi32, #tpu.memory_space<hbm>> -> memref<10x128xi32, #tpu.memory_space<hbm>>
        tpu.wait_dma2 semaphore(%run_scoped3A_69 : memref<!tpu.dma_semaphore, #tpu.memory_space<semaphore_mem>>) src(%dma_wait3A_79 : memref<10x128xi32, #tpu.memory_space<hbm>>) dst(%arg5 : memref<10x128xi32, #tpu.memory_space<vmem>>)
        tpu.yield
      }) : () -> ()
      %mul3A_62 = arith.constant 128 : i32
      %mul3A_63 = arith.muli %mul3A_61, %mul3A_62 : i32
      "tpu.region"() ({
        %run_scoped3A_69 = tpu.sem_alloc : memref<!tpu.dma_semaphore, #tpu.memory_space<semaphore_mem>>
        %dma_start3A = arith.constant 0 : i32
        %dma_start3A_70 = tpu.memref_slice %arg3[%mul3A_63, %dma_start3A] : memref<1600000x16xf32, #tpu.memory_space<hbm>> -> memref<1280x16xf32, #tpu.memory_space<hbm>>
        %dma_start3A_71 = arith.constant 0 : i32
        %dma_start3A_72 = tpu.memref_slice %arg3[%mul3A_63, %dma_start3A_71] : memref<1600000x16xf32, #tpu.memory_space<hbm>> -> memref<1280x16xf32, #tpu.memory_space<hbm>>
        tpu.enqueue_dma source(%dma_start3A_72 : memref<1280x16xf32, #tpu.memory_space<hbm>>) target(%arg6 : memref<1280x16xf32, #tpu.memory_space<vmem>>) target_semaphore(%run_scoped3A_69 : memref<!tpu.dma_semaphore, #tpu.memory_space<semaphore_mem>>)
        %dma_wait3A = arith.constant 0 : i32
        %dma_wait3A_73 = tpu.memref_slice %arg3[%mul3A_63, %dma_wait3A] : memref<1600000x16xf32, #tpu.memory_space<hbm>> -> memref<1280x16xf32, #tpu.memory_space<hbm>>
        %dma_wait3A_74 = arith.constant 0 : i32
        %dma_wait3A_75 = tpu.memref_slice %arg3[%mul3A_63, %dma_wait3A_74] : memref<1600000x16xf32, #tpu.memory_space<hbm>> -> memref<1280x16xf32, #tpu.memory_space<hbm>>
        tpu.wait_dma2 semaphore(%run_scoped3A_69 : memref<!tpu.dma_semaphore, #tpu.memory_space<semaphore_mem>>) src(%dma_wait3A_75 : memref<1280x16xf32, #tpu.memory_space<hbm>>) dst(%arg6 : memref<1280x16xf32, #tpu.memory_space<vmem>>)
        tpu.yield
      }) : () -> ()
      %scan3A_64 = arith.constant 0 : i32
      %scan3A_65 = arith.constant 10 : i32
      %scan3A_66 = arith.addi %scan3A_64, %scan3A_65 : i32
      %scan3A_67 = arith.constant 1 : i32
      scf.for %scan3A_69 = %scan3A_64 to %scan3A_66 step %scan3A_67  : i32 {
        %mul3A_70 = arith.constant 1 : i32
        %mul3A_71 = arith.muli %scan3A_69, %mul3A_70 : i32
        %add3A_72 = arith.constant 0 : i32
        %add3A_73 = arith.addi %add3A_72, %mul3A_71 : i32
        %mul3A_74 = arith.constant 128 : i32
        %mul3A_75 = arith.muli %add3A_73, %mul3A_74 : i32
        "tpu.region"() ({
          %run_scoped3A_76 = tpu.sem_alloc : memref<!tpu.dma_semaphore, #tpu.memory_space<semaphore_mem>>
          %dma_start3A = arith.constant 0 : i32
          %dma_start3A_77 = tpu.memref_slice %arg6[%mul3A_75, %dma_start3A] : memref<1280x16xf32, #tpu.memory_space<vmem>> -> memref<128x16xf32, #tpu.memory_space<vmem>>
          %dma_start3A_78 = arith.constant 0 : i32
          %dma_start3A_79 = tpu.memref_slice %arg5[%add3A_73, %dma_start3A_78] : memref<10x128xi32, #tpu.memory_space<vmem>> -> memref<1x128xi32, #tpu.memory_space<vmem>>
          %dma_start3A_80 = tpu.memref_squeeze %dma_start3A_79 : memref<1x128xi32, #tpu.memory_space<vmem>> -> memref<128xi32, #tpu.memory_space<vmem>>
          %dma_start3A_81 = arith.constant 0 : i32
          %dma_start3A_82 = arith.constant 0 : i32
          %dma_start3A_83 = tpu.memref_slice %arg8[%dma_start3A_81, %dma_start3A_82] : memref<50000x16xf32, #tpu.memory_space<vmem_shared>> -> memref<50000x16xf32, #tpu.memory_space<vmem_shared>>
          tpu.enqueue_indirect_dma source(%dma_start3A_77 : memref<128x16xf32, #tpu.memory_space<vmem>>) target(%dma_start3A_83 : memref<50000x16xf32, #tpu.memory_space<vmem_shared>>) offsets(%dma_start3A_80 : memref<128xi32, #tpu.memory_space<vmem>>) semaphore(%run_scoped3A_76 : memref<!tpu.dma_semaphore, #tpu.memory_space<semaphore_mem>>) {add = true}
          %dma_wait3A = arith.constant 0 : i32
          %dma_wait3A_84 = tpu.memref_slice %arg6[%mul3A_75, %dma_wait3A] : memref<1280x16xf32, #tpu.memory_space<vmem>> -> memref<128x16xf32, #tpu.memory_space<vmem>>
          %dma_wait3A_85 = arith.constant 0 : i32
          %dma_wait3A_86 = tpu.memref_slice %arg5[%add3A_73, %dma_wait3A_85] : memref<10x128xi32, #tpu.memory_space<vmem>> -> memref<1x128xi32, #tpu.memory_space<vmem>>
          %dma_wait3A_87 = tpu.memref_squeeze %dma_wait3A_86 : memref<1x128xi32, #tpu.memory_space<vmem>> -> memref<128xi32, #tpu.memory_space<vmem>>
          %dma_wait3A_88 = arith.constant 0 : i32
          %dma_wait3A_89 = arith.constant 0 : i32
          %dma_wait3A_90 = tpu.memref_slice %arg8[%dma_wait3A_88, %dma_wait3A_89] : memref<50000x16xf32, #tpu.memory_space<vmem_shared>> -> memref<50000x16xf32, #tpu.memory_space<vmem_shared>>
          tpu.wait_indirect_dma semaphore(%run_scoped3A_76 : memref<!tpu.dma_semaphore, #tpu.memory_space<semaphore_mem>>) src(%dma_wait3A_84 : memref<128x16xf32, #tpu.memory_space<vmem>>) dst(%dma_wait3A_90 : memref<50000x16xf32, #tpu.memory_space<vmem_shared>>)
          tpu.yield
        }) : () -> ()
      }
      %scan3A_68 = arith.constant 10 : i32
    }
    %barrier3A_38 = arith.constant 0 : index
    tpu.barrier barrier_id(%barrier3A_38)
    %sub3A_39 = arith.constant 50 : i32
    %sub3A_40 = arith.subi %sub3A_39, %arg1 : i32
    %sub3A_41 = arith.constant 16 : i32
    %sub3A_42 = arith.constant 1 : i32
    %sub3A_43 = arith.subi %sub3A_41, %sub3A_42 : i32
    %add3A_44 = arith.addi %sub3A_40, %sub3A_43 : i32
    %div3A_45 = arith.constant 16 : i32
    %div3A_46 = arith.divsi %add3A_44, %div3A_45 : i32
    %while3A_47 = arith.constant 16 : i32
    %while3A_48 = arith.constant 0 : i32
    %while3A_49 = arith.subi %div3A_46, %while3A_48 : i32
    %while3A_50 = arith.addi %while3A_48, %while3A_49 : i32
    %while3A_51 = arith.constant 1 : i32
    %while3A_52 = arith.divsi %while3A_49, %while3A_51 : i32
    %while3A_53 = arith.muli %while3A_52, %while3A_51 : i32
    %while3A_54 = arith.addi %while3A_48, %while3A_53 : i32
    %while3A_55 = arith.constant 1 : i32
    scf.for %while3A_57 = %while3A_48 to %while3A_54 step %while3A_55  : i32 {
      %mul3A_58 = arith.muli %while3A_57, %while3A_47 : i32
      %add3A_59 = arith.addi %arg1, %mul3A_58 : i32
      %mul3A_60 = arith.constant 1000 : i32
      %mul3A_61 = arith.muli %add3A_59, %mul3A_60 : i32
      %mul3A_62 = arith.constant 1000 : i32
      %mul3A_63 = arith.muli %add3A_59, %mul3A_62 : i32
      "tpu.region"() ({
        %run_scoped3A = tpu.sem_alloc : memref<!tpu.dma_semaphore, #tpu.memory_space<semaphore_mem>>
        %dma_start3A = arith.constant 0 : i32
        %dma_start3A_64 = tpu.memref_slice %arg4[%arg0, %mul3A_63, %dma_start3A] : memref<2x50000x16xf32, #tpu.memory_space<hbm>> -> memref<1x1000x16xf32, #tpu.memory_space<hbm>>
        %dma_start3A_65 = tpu.memref_squeeze %dma_start3A_64 : memref<1x1000x16xf32, #tpu.memory_space<hbm>> -> memref<1000x16xf32, #tpu.memory_space<hbm>>
        %dma_start3A_66 = arith.constant 0 : i32
        %dma_start3A_67 = tpu.memref_slice %arg8[%mul3A_61, %dma_start3A_66] : memref<50000x16xf32, #tpu.memory_space<vmem_shared>> -> memref<1000x16xf32, #tpu.memory_space<vmem_shared>>
        tpu.enqueue_dma source(%dma_start3A_67 : memref<1000x16xf32, #tpu.memory_space<vmem_shared>>) target(%dma_start3A_65 : memref<1000x16xf32, #tpu.memory_space<hbm>>) target_semaphore(%run_scoped3A : memref<!tpu.dma_semaphore, #tpu.memory_space<semaphore_mem>>)
        %dma_wait3A = arith.constant 0 : i32
        %dma_wait3A_68 = tpu.memref_slice %arg4[%arg0, %mul3A_63, %dma_wait3A] : memref<2x50000x16xf32, #tpu.memory_space<hbm>> -> memref<1x1000x16xf32, #tpu.memory_space<hbm>>
        %dma_wait3A_69 = tpu.memref_squeeze %dma_wait3A_68 : memref<1x1000x16xf32, #tpu.memory_space<hbm>> -> memref<1000x16xf32, #tpu.memory_space<hbm>>
        %dma_wait3A_70 = arith.constant 0 : i32
        %dma_wait3A_71 = tpu.memref_slice %arg8[%mul3A_61, %dma_wait3A_70] : memref<50000x16xf32, #tpu.memory_space<vmem_shared>> -> memref<1000x16xf32, #tpu.memory_space<vmem_shared>>
        tpu.wait_dma2 semaphore(%run_scoped3A : memref<!tpu.dma_semaphore, #tpu.memory_space<semaphore_mem>>) src(%dma_wait3A_71 : memref<1000x16xf32, #tpu.memory_space<vmem_shared>>) dst(%dma_wait3A_69 : memref<1000x16xf32, #tpu.memory_space<hbm>>)
        tpu.yield
      }) : () -> ()
    }
    %while3A_56 = arith.constant 1 : i32
    scf.for %while3A_57 = %while3A_54 to %while3A_50 step %while3A_56  : i32 {
      %mul3A_58 = arith.muli %while3A_57, %while3A_47 : i32
      %add3A_59 = arith.addi %arg1, %mul3A_58 : i32
      %mul3A_60 = arith.constant 1000 : i32
      %mul3A_61 = arith.muli %add3A_59, %mul3A_60 : i32
      %mul3A_62 = arith.constant 1000 : i32
      %mul3A_63 = arith.muli %add3A_59, %mul3A_62 : i32
      "tpu.region"() ({
        %run_scoped3A = tpu.sem_alloc : memref<!tpu.dma_semaphore, #tpu.memory_space<semaphore_mem>>
        %dma_start3A = arith.constant 0 : i32
        %dma_start3A_64 = tpu.memref_slice %arg4[%arg0, %mul3A_63, %dma_start3A] : memref<2x50000x16xf32, #tpu.memory_space<hbm>> -> memref<1x1000x16xf32, #tpu.memory_space<hbm>>
        %dma_start3A_65 = tpu.memref_squeeze %dma_start3A_64 : memref<1x1000x16xf32, #tpu.memory_space<hbm>> -> memref<1000x16xf32, #tpu.memory_space<hbm>>
        %dma_start3A_66 = arith.constant 0 : i32
        %dma_start3A_67 = tpu.memref_slice %arg8[%mul3A_61, %dma_start3A_66] : memref<50000x16xf32, #tpu.memory_space<vmem_shared>> -> memref<1000x16xf32, #tpu.memory_space<vmem_shared>>
        tpu.enqueue_dma source(%dma_start3A_67 : memref<1000x16xf32, #tpu.memory_space<vmem_shared>>) target(%dma_start3A_65 : memref<1000x16xf32, #tpu.memory_space<hbm>>) target_semaphore(%run_scoped3A : memref<!tpu.dma_semaphore, #tpu.memory_space<semaphore_mem>>)
        %dma_wait3A = arith.constant 0 : i32
        %dma_wait3A_68 = tpu.memref_slice %arg4[%arg0, %mul3A_63, %dma_wait3A] : memref<2x50000x16xf32, #tpu.memory_space<hbm>> -> memref<1x1000x16xf32, #tpu.memory_space<hbm>>
        %dma_wait3A_69 = tpu.memref_squeeze %dma_wait3A_68 : memref<1x1000x16xf32, #tpu.memory_space<hbm>> -> memref<1000x16xf32, #tpu.memory_space<hbm>>
        %dma_wait3A_70 = arith.constant 0 : i32
        %dma_wait3A_71 = tpu.memref_slice %arg8[%mul3A_61, %dma_wait3A_70] : memref<50000x16xf32, #tpu.memory_space<vmem_shared>> -> memref<1000x16xf32, #tpu.memory_space<vmem_shared>>
        tpu.wait_dma2 semaphore(%run_scoped3A : memref<!tpu.dma_semaphore, #tpu.memory_space<semaphore_mem>>) src(%dma_wait3A_71 : memref<1000x16xf32, #tpu.memory_space<vmem_shared>>) dst(%dma_wait3A_69 : memref<1000x16xf32, #tpu.memory_space<hbm>>)
        tpu.yield
      }) : () -> ()
    }
    return
  }
}

module attributes {stable_mosaic.version = 14 : i64} {
  func.func @_mlp_body(%arg0: i32, %arg1: memref<1000x128xf32, #tpu.memory_space<vmem>>, %arg2: memref<2x1000x16xf32, #tpu.memory_space<vmem>>, %arg3: memref<64x32xf32, #tpu.memory_space<vmem>>, %arg4: memref<1x1x1000xi32, #tpu.memory_space<vmem>>, %arg5: memref<176x256xf32, #tpu.memory_space<vmem>>, %arg6: memref<1x256xf32, #tpu.memory_space<vmem>>, %arg7: memref<256x256xf32, #tpu.memory_space<vmem>>, %arg8: memref<1x256xf32, #tpu.memory_space<vmem>>, %arg9: memref<256x128xf32, #tpu.memory_space<vmem>>, %arg10: memref<1x128xf32, #tpu.memory_space<vmem>>, %arg11: memref<1000x128xf32, #tpu.memory_space<vmem>>) attributes {dimension_semantics = [#tpu.dimension_semantics<arbitrary>], iteration_bounds = array<i64: 50>, scalar_prefetch = 0 : i64, scratch_operands = 0 : i64, tpu.core_type = #tpu.core_type<tc>, window_params = [{transform_indices = @transform_0, window_bounds = array<i64: 1000, 128>}, {transform_indices = @transform_1, window_bounds = array<i64: 2, 1000, 16>}, {pipeline_mode = #tpu.pipeline_mode<synchronous>, transform_indices = @transform_2, window_bounds = array<i64: 64, 32>}, {transform_indices = @transform_3, window_bounds = array<i64: 1, 1, 1000>}, {pipeline_mode = #tpu.pipeline_mode<synchronous>, transform_indices = @transform_4, window_bounds = array<i64: 176, 256>}, {pipeline_mode = #tpu.pipeline_mode<synchronous>, transform_indices = @transform_5, window_bounds = array<i64: 1, 256>}, {pipeline_mode = #tpu.pipeline_mode<synchronous>, transform_indices = @transform_6, window_bounds = array<i64: 256, 256>}, {pipeline_mode = #tpu.pipeline_mode<synchronous>, transform_indices = @transform_7, window_bounds = array<i64: 1, 256>}, {pipeline_mode = #tpu.pipeline_mode<synchronous>, transform_indices = @transform_8, window_bounds = array<i64: 256, 128>}, {pipeline_mode = #tpu.pipeline_mode<synchronous>, transform_indices = @transform_9, window_bounds = array<i64: 1, 128>}, {transform_indices = @transform_10, window_bounds = array<i64: 1000, 128>}]} {
    %get3A = arith.constant 0 : index
    %get3A_0 = arith.constant 0 : index
    %get3A_1 = arith.constant 0 : index
    %get3A_2 = vector.load %arg2[%get3A, %get3A_0, %get3A_1] : memref<2x1000x16xf32, #tpu.memory_space<vmem>>, vector<1x1000x16xf32>
    %get3A_3 = vector.shape_cast %get3A_2 : vector<1x1000x16xf32> to vector<1000x16xf32>
    %get3A_4 = arith.constant 1 : index
    %get3A_5 = arith.constant 0 : index
    %get3A_6 = arith.constant 0 : index
    %get3A_7 = vector.load %arg2[%get3A_4, %get3A_5, %get3A_6] : memref<2x1000x16xf32, #tpu.memory_space<vmem>>, vector<1x1000x16xf32>
    %get3A_8 = vector.shape_cast %get3A_7 : vector<1x1000x16xf32> to vector<1000x16xf32>
    %add3A = arith.addf %get3A_3, %get3A_8 : vector<1000x16xf32>
    %get3A_9 = arith.constant 0 : index
    %get3A_10 = arith.constant 0 : index
    %get3A_11 = arith.constant 0 : index
    %get3A_12 = vector.load %arg4[%get3A_9, %get3A_10, %get3A_11] : memref<1x1x1000xi32, #tpu.memory_space<vmem>>, vector<1x1x1000xi32>
    %get3A_13 = vector.shape_cast %get3A_12 : vector<1x1x1000xi32> to vector<1000xi32>
    %broadcast_in_dim3A = vector.shape_cast %get3A_13 : vector<1000xi32> to vector<1000x1xi32>
    %iota3A = tpu.iota {dimensions = array<i32: 1>} : vector<1000x64xi32>
    %eq3A = vector.broadcast %broadcast_in_dim3A : vector<1000x1xi32> to vector<1000x64xi32>
    %eq3A_14 = arith.cmpi eq, %eq3A, %iota3A : vector<1000x64xi32>
    %convert_element_type3A = arith.extui %eq3A_14 : vector<1000x64xi1> to vector<1000x64xi32>
    %convert_element_type3A_15 = arith.sitofp %convert_element_type3A : vector<1000x64xi32> to vector<1000x64xf32>
    %get3A_16 = arith.constant 0 : index
    %get3A_17 = arith.constant 0 : index
    %get3A_18 = vector.load %arg3[%get3A_16, %get3A_17] : memref<64x32xf32, #tpu.memory_space<vmem>>, vector<64x32xf32>
    %dot_general3A = arith.constant dense<0.000000e+00> : vector<1000x32xf32>
    %dot_general3A_19 = tpu.matmul %convert_element_type3A_15, %get3A_18, %dot_general3A {dimension_numbers = #tpu.dot_dimension_numbers<[1], [0], [0], [1], [0, 0, 1, 1], [], []>, transpose_lhs_hint = false} : vector<1000x64xf32>, vector<64x32xf32>, vector<1000x32xf32> -> vector<1000x32xf32>
    %get3A_20 = arith.constant 0 : index
    %get3A_21 = arith.constant 0 : index
    %get3A_22 = vector.load %arg5[%get3A_20, %get3A_21] : memref<176x256xf32, #tpu.memory_space<vmem>>, vector<176x256xf32>
    %get3A_23 = arith.constant 0 : index
    %get3A_24 = arith.constant 0 : index
    %get3A_25 = vector.load %arg1[%get3A_23, %get3A_24] : memref<1000x128xf32, #tpu.memory_space<vmem>>, vector<1000x128xf32>
    %slice3A = vector.extract_strided_slice %get3A_22 {offsets = [0, 0], sizes = [128, 256], strides = [1, 1]} : vector<176x256xf32> to vector<128x256xf32>
    %dot_general3A_26 = arith.constant dense<0.000000e+00> : vector<1000x256xf32>
    %dot_general3A_27 = tpu.matmul %get3A_25, %slice3A, %dot_general3A_26 {dimension_numbers = #tpu.dot_dimension_numbers<[1], [0], [0], [1], [0, 0, 1, 1], [], []>, transpose_lhs_hint = false} : vector<1000x128xf32>, vector<128x256xf32>, vector<1000x256xf32> -> vector<1000x256xf32>
    %slice3A_28 = vector.extract_strided_slice %get3A_22 {offsets = [128, 0], sizes = [16, 256], strides = [1, 1]} : vector<176x256xf32> to vector<16x256xf32>
    %dot_general3A_29 = arith.constant dense<0.000000e+00> : vector<1000x256xf32>
    %dot_general3A_30 = tpu.matmul %add3A, %slice3A_28, %dot_general3A_29 {dimension_numbers = #tpu.dot_dimension_numbers<[1], [0], [0], [1], [0, 0, 1, 1], [], []>, transpose_lhs_hint = false} : vector<1000x16xf32>, vector<16x256xf32>, vector<1000x256xf32> -> vector<1000x256xf32>
    %add3A_31 = arith.addf %dot_general3A_27, %dot_general3A_30 : vector<1000x256xf32>
    %slice3A_32 = vector.extract_strided_slice %get3A_22 {offsets = [144, 0], sizes = [32, 256], strides = [1, 1]} : vector<176x256xf32> to vector<32x256xf32>
    %dot_general3A_33 = arith.constant dense<0.000000e+00> : vector<1000x256xf32>
    %dot_general3A_34 = tpu.matmul %dot_general3A_19, %slice3A_32, %dot_general3A_33 {dimension_numbers = #tpu.dot_dimension_numbers<[1], [0], [0], [1], [0, 0, 1, 1], [], []>, transpose_lhs_hint = false} : vector<1000x32xf32>, vector<32x256xf32>, vector<1000x256xf32> -> vector<1000x256xf32>
    %add3A_35 = arith.addf %add3A_31, %dot_general3A_34 : vector<1000x256xf32>
    %get3A_36 = arith.constant 0 : index
    %get3A_37 = arith.constant 0 : index
    %get3A_38 = vector.load %arg6[%get3A_36, %get3A_37] : memref<1x256xf32, #tpu.memory_space<vmem>>, vector<1x256xf32>
    %add3A_39 = vector.broadcast %get3A_38 : vector<1x256xf32> to vector<1000x256xf32>
    %add3A_40 = arith.addf %add3A_35, %add3A_39 : vector<1000x256xf32>
    %max3A = arith.constant 0.000000e+00 : f32
    %max3A_41 = vector.broadcast %max3A : f32 to vector<1000x256xf32>
    %max3A_42 = arith.maximumf %add3A_40, %max3A_41 : vector<1000x256xf32>
    %get3A_43 = arith.constant 0 : index
    %get3A_44 = arith.constant 0 : index
    %get3A_45 = vector.load %arg7[%get3A_43, %get3A_44] : memref<256x256xf32, #tpu.memory_space<vmem>>, vector<256x256xf32>
    %dot_general3A_46 = arith.constant dense<0.000000e+00> : vector<1000x256xf32>
    %dot_general3A_47 = tpu.matmul %max3A_42, %get3A_45, %dot_general3A_46 {dimension_numbers = #tpu.dot_dimension_numbers<[1], [0], [0], [1], [0, 0, 1, 1], [], []>, transpose_lhs_hint = false} : vector<1000x256xf32>, vector<256x256xf32>, vector<1000x256xf32> -> vector<1000x256xf32>
    %get3A_48 = arith.constant 0 : index
    %get3A_49 = arith.constant 0 : index
    %get3A_50 = vector.load %arg8[%get3A_48, %get3A_49] : memref<1x256xf32, #tpu.memory_space<vmem>>, vector<1x256xf32>
    %add3A_51 = vector.broadcast %get3A_50 : vector<1x256xf32> to vector<1000x256xf32>
    %add3A_52 = arith.addf %dot_general3A_47, %add3A_51 : vector<1000x256xf32>
    %max3A_53 = arith.constant 0.000000e+00 : f32
    %max3A_54 = vector.broadcast %max3A_53 : f32 to vector<1000x256xf32>
    %max3A_55 = arith.maximumf %add3A_52, %max3A_54 : vector<1000x256xf32>
    %get3A_56 = arith.constant 0 : index
    %get3A_57 = arith.constant 0 : index
    %get3A_58 = vector.load %arg9[%get3A_56, %get3A_57] : memref<256x128xf32, #tpu.memory_space<vmem>>, vector<256x128xf32>
    %dot_general3A_59 = arith.constant dense<0.000000e+00> : vector<1000x128xf32>
    %dot_general3A_60 = tpu.matmul %max3A_55, %get3A_58, %dot_general3A_59 {dimension_numbers = #tpu.dot_dimension_numbers<[1], [0], [0], [1], [0, 0, 1, 1], [], []>, transpose_lhs_hint = false} : vector<1000x256xf32>, vector<256x128xf32>, vector<1000x128xf32> -> vector<1000x128xf32>
    %get3A_61 = arith.constant 0 : index
    %get3A_62 = arith.constant 0 : index
    %get3A_63 = vector.load %arg10[%get3A_61, %get3A_62] : memref<1x128xf32, #tpu.memory_space<vmem>>, vector<1x128xf32>
    %add3A_64 = vector.broadcast %get3A_63 : vector<1x128xf32> to vector<1000x128xf32>
    %add3A_65 = arith.addf %dot_general3A_60, %add3A_64 : vector<1000x128xf32>
    %swap3A = arith.constant 0 : index
    %swap3A_66 = arith.constant 0 : index
    %swap3A_67 = vector.load %arg11[%swap3A, %swap3A_66] : memref<1000x128xf32, #tpu.memory_space<vmem>>, vector<1000x128xf32>
    tpu.vector_store %arg11[%swap3A, %swap3A_66], %add3A_65 {strides = array<i32>} : memref<1000x128xf32, #tpu.memory_space<vmem>>, vector<1000x128xf32>,
    return
  }
  func.func @transform_0(%arg0: i32) -> (i32, i32) {
    %c0_i32 = arith.constant 0 : i32
    %c0_i32_0 = arith.constant 0 : i32
    return %arg0, %c0_i32 : i32, i32
  }
  func.func @transform_1(%arg0: i32) -> (i32, i32, i32) {
    %c0_i32 = arith.constant 0 : i32
    %c0_i32_0 = arith.constant 0 : i32
    %c0_i32_1 = arith.constant 0 : i32
    return %c0_i32, %arg0, %c0_i32_0 : i32, i32, i32
  }
  func.func @transform_2(%arg0: i32) -> (i32, i32) {
    %c0_i32 = arith.constant 0 : i32
    %c0_i32_0 = arith.constant 0 : i32
    %c0_i32_1 = arith.constant 0 : i32
    return %c0_i32, %c0_i32_0 : i32, i32
  }
  func.func @transform_3(%arg0: i32) -> (i32, i32, i32) {
    %c0_i32 = arith.constant 0 : i32
    %c0_i32_0 = arith.constant 0 : i32
    %c0_i32_1 = arith.constant 0 : i32
    return %arg0, %c0_i32, %c0_i32_0 : i32, i32, i32
  }
  func.func @transform_4(%arg0: i32) -> (i32, i32) {
    %c0_i32 = arith.constant 0 : i32
    %c0_i32_0 = arith.constant 0 : i32
    %c0_i32_1 = arith.constant 0 : i32
    return %c0_i32, %c0_i32_0 : i32, i32
  }
  func.func @transform_5(%arg0: i32) -> (i32, i32) {
    %c0_i32 = arith.constant 0 : i32
    %c0_i32_0 = arith.constant 0 : i32
    %c0_i32_1 = arith.constant 0 : i32
    return %c0_i32, %c0_i32_0 : i32, i32
  }
  func.func @transform_6(%arg0: i32) -> (i32, i32) {
    %c0_i32 = arith.constant 0 : i32
    %c0_i32_0 = arith.constant 0 : i32
    %c0_i32_1 = arith.constant 0 : i32
    return %c0_i32, %c0_i32_0 : i32, i32
  }
  func.func @transform_7(%arg0: i32) -> (i32, i32) {
    %c0_i32 = arith.constant 0 : i32
    %c0_i32_0 = arith.constant 0 : i32
    %c0_i32_1 = arith.constant 0 : i32
    return %c0_i32, %c0_i32_0 : i32, i32
  }
  func.func @transform_8(%arg0: i32) -> (i32, i32) {
    %c0_i32 = arith.constant 0 : i32
    %c0_i32_0 = arith.constant 0 : i32
    %c0_i32_1 = arith.constant 0 : i32
    return %c0_i32, %c0_i32_0 : i32, i32
  }
  func.func @transform_9(%arg0: i32) -> (i32, i32) {
    %c0_i32 = arith.constant 0 : i32
    %c0_i32_0 = arith.constant 0 : i32
    %c0_i32_1 = arith.constant 0 : i32
    return %c0_i32, %c0_i32_0 : i32, i32
  }
  func.func @transform_10(%arg0: i32) -> (i32, i32) {
    %c0_i32 = arith.constant 0 : i32
    %c0_i32_0 = arith.constant 0 : i32
    return %arg0, %c0_i32 : i32, i32
  }
}

</mosaic_0001>

<sc_bundles>
// kernel: kernel.4.cloned.1.call-start
scs
__scs_entry_jumppad:
0x0: {  	(pc) =	sbr.rel $0x88, $3  }
0x1: {  	(tag) =	ssettag $0x0;
	lr =	simm.s32 $0x1  }
0x2: {  	[smem:$0x3F96] =	sst lr;
	_ =	strace $0xD0000000  }
0x3: {  	_ = 	snop  }
0x4: {  	_ = 	snop  }
0x5: {  	_ = 	snop  }
0x6: {  	_ = 	snop  }
0x7: {  	_ = 	snop  }
__scs_overlays_trampoline_lowered:
0x8: {  	[smem:$0x3FA5] =	sst s0  }
0x9: {  	[smem:$0x3FA6] =	sst s1  }
0xa: {  	[smem:$0x3FA7] =	sst s2  }
0xb: {  	[smem:$0x3FA8] =	sst s3  }
0xc: {  	[smem:$0x3FA9] =	sst s4  }
0xd: {  	[smem:$0x3FAA] =	sst s5  }
0xe: {  	[smem:$0x3FAB] =	sst s6  }
0xf: {  	[smem:$0x3FAC] =	sst s7  }
0x10: {  	[smem:$0x3FAD] =	sst s8  }
0x11: {  	[smem:$0x3FAE] =	sst s9;
	s0 =	simm.s32 @!p0 $0x0  }
0x12: {  	s1 =	sld [smem:$0x3F94];
	s0 =	simm.s32 @p0 $0x1  }
0x13: {  	[smem:$0x3FAF] =	sst s0;
	s0 =	simm.s32 @!p1 $0x0  }
0x14: {  	s2 =	sld [smem:$0x3F93];
	s0 =	simm.s32 @p1 $0x1  }
0x15: {  	[smem:$0x3FB0] =	sst s0;
	s0 =	simm.s32 @!p2 $0x0  }
0x16: {  	s3 =	sld [smem:$0x3FDB];
	s0 =	simm.s32 @p2 $0x1  }
0x17: {  	s4 =	simm.s32 $0x1BF5;
	[smem:$0x3FB2] =	sst s0  }
0x18: {  	s0 =	sld [smem:$0x3F95];
	_ =	swait.ge [sflag:s4], $0x0  }
0x19: {  	s7 =	sld [smem:$0x3F96]  }
0x1a: {  	s8 =	sadd.s32 $0xFFFFE003, lr  }
0x1b: {  	s9 =	sadd.s32 $0xFFFFFEF7, lr;
	s5 =	simm.s32 $0xFFFFFFFF;
	p2 =	slt.u32 s8, $0xFFFFF086  }
0x1c: {  	p1 =	slt.u32 s9, $0xF7A;
	s5 =	simm.s32 @!p2 $0x0  }
0x1d: {  	s5 =	simm.s32 @p1 $0x1;
	p0 =	seq.s32 s7, s2  }
0x1e: {  	s7 =	smul.u32 @!p0 $0xF7A, s2;
	p2 =	seq.s32 @!p0 s5, $0x0  }
0x1f: {  	s9 =	smul.u32 $0xF7A, s1;
	s8 =	simm.s32 @!p0 $0x1BF5;
	p2 =	por !p2, p0  }
0x20: {  	[sflag:s8] =	ssyncset.s32 @!p0 $0xFFFFF086;
	s6 =	sadd.s32 @!p0 s3, s7;
	s7 =	simm.s32 @!p0 $0x108  }
0x21: {  	s3 =	sadd.s32 s3, s9;
	s6 =	sadd.s32 @!p0 $0x88, s6;
	s7 =	simm.s32 @p2 $0x1082  }
0x22: {  	[simem:s7], [sflag:s8] =	dma.local @!p0 [hbm:s6], $0xF7A  }
0x23: {  	s9 =	sor.u32 $0xD0000000, s2;
	s6 =	simm.s32 $0x108;
	_ =	swait.ge @!p0 [sflag:s8], $0x0  }
0x24: {  	s3 =	sadd.s32 $0x88, s3;
	s6 =	simm.s32 @!p1 $0x1082;
	[sflag:s4] =	ssyncset.s32 $0xFFFFF086  }
0x25: {  	[simem:s6], [sflag:s4] =	dma.local [hbm:s3], $0xF7A  }
0x26: {  	[smem:$0x3F96] =	sst s1;
	(tag) =	ssettag s2;
	_ =	strace s9  }
0x27: {  	s1 =	sld [smem:$0x3FA6]  }
0x28: {  	s2 =	sld [smem:$0x3FA7]  }
0x29: {  	s4 =	sld [smem:$0x3FA9]  }
0x2a: {  	p0 =	seq.s32 s5, $0x0;
	s5 =	sld [smem:$0x3FAA]  }
0x2b: {  	s6 =	sld [smem:$0x3FAB]  }
0x2c: {  	s7 =	sld [smem:$0x3FAC]  }
0x2d: {  	s3 =	simm.s32 $0x108;
	s8 =	sld [smem:$0x3FAD]  }
0x2e: {  	s3 =	simm.s32 @!p0 $0x1082;
	s9 =	sld [smem:$0x3FAE]  }
0x2f: {  	lr =	sadd.s32 s0, s3;
	s0 =	sld [smem:$0x3FA5]  }
0x30: {  	s3 =	sld [smem:$0x3FA8]  }
0x31: {  	[smem:$0x3FB1] =	sst s10  }
0x32: {  	s10 =	sld [smem:$0x3FAF];
	_ =	sdelay $0x3  }
0x33: {  	p0 =	seq.s32 s10, $0x1;
	s10 =	sld [smem:$0x3FB1];
	_ =	sdelay $0x3  }
0x34: {  	[smem:$0x3FB1] =	sst s10  }
0x35: {  	s10 =	sld [smem:$0x3FB0];
	_ =	sdelay $0x3  }
0x36: {  	p1 =	seq.s32 s10, $0x1;
	s10 =	sld [smem:$0x3FB1];
	_ =	sdelay $0x3  }
0x37: {  	[smem:$0x3FB1] =	sst s10  }
0x38: {  	s10 =	sld [smem:$0x3FB2]  }
0x39: {  	_ = 	snop;
	(pc) =	sbr.ind lr, $3  }
0x3a: {  	_ = 	snop  }
0x3b: {  	_ = 	snop  }
0x3c: {  	p2 =	seq.s32 s10, $0x1;
	s10 =	sld [smem:$0x3FB1]  }
0x3d: {  	_ =	shalt  }
0x3e: {  	_ =	shalt  }
0x3f: {  	_ =	shalt  }
0x40: {  	_ =	shalt  }
0x41: {  	_ =	shalt  }
0x42: {  	_ =	shalt  }
0x43: {  	_ =	shalt  }
0x44: {  	_ =	shalt  }
0x45: {  	_ =	shalt  }
0x46: {  	_ =	shalt  }
0x47: {  	_ =	shalt  }
0x48: {  	_ =	shalt  }
0x49: {  	_ =	shalt  }
0x4a: {  	_ =	shalt  }
0x4b: {  	_ =	shalt  }
0x4c: {  	_ =	shalt  }
0x4d: {  	_ =	shalt  }
0x4e: {  	_ =	shalt  }
0x4f: {  	_ =	shalt  }
0x50: {  	_ =	shalt  }
0x51: {  	_ =	shalt  }
0x52: {  	_ =	shalt  }
0x53: {  	_ =	shalt  }
0x54: {  	_ =	shalt  }
0x55: {  	_ =	shalt  }
0x56: {  	_ =	shalt  }
0x57: {  	_ =	shalt  }
0x58: {  	_ =	shalt  }
0x59: {  	_ =	shalt  }
0x5a: {  	_ =	shalt  }
0x5b: {  	_ =	shalt  }
0x5c: {  	_ =	shalt  }
0x5d: {  	_ =	shalt  }
0x5e: {  	_ =	shalt  }
0x5f: {  	_ =	shalt  }
0x60: {  	_ =	shalt  }
0x61: {  	_ =	shalt  }
0x62: {  	_ =	shalt  }
0x63: {  	_ =	shalt  }
0x64: {  	_ =	shalt  }
0x65: {  	_ =	shalt  }
0x66: {  	_ =	shalt  }
0x67: {  	_ =	shalt  }
0x68: {  	_ =	shalt  }
0x69: {  	_ =	shalt  }
0x6a: {  	_ =	shalt  }
0x6b: {  	_ =	shalt  }
0x6c: {  	_ =	shalt  }
0x6d: {  	_ =	shalt  }
0x6e: {  	_ =	shalt  }
0x6f: {  	_ =	shalt  }
0x70: {  	_ =	shalt  }
0x71: {  	_ =	shalt  }
0x72: {  	_ =	shalt  }
0x73: {  	_ =	shalt  }
0x74: {  	_ =	shalt  }
0x75: {  	_ =	shalt  }
0x76: {  	_ =	shalt  }
0x77: {  	_ =	shalt  }
0x78: {  	_ =	shalt  }
0x79: {  	_ =	shalt  }
0x7a: {  	_ =	shalt  }
0x7b: {  	_ =	shalt  }
0x7c: {  	_ =	shalt  }
0x7d: {  	_ =	shalt  }
0x7e: {  	_ =	shalt  }
0x7f: {  	_ =	shalt  }
0x80: {  	_ =	shalt  }
0x81: {  	_ =	shalt  }
0x82: {  	_ =	shalt  }
0x83: {  	_ =	shalt  }
0x84: {  	_ =	shalt  }
0x85: {  	_ =	shalt  }
0x86: {  	_ =	shalt  }
0x87: {  	_ =	shalt  }
.Lfunc_end0:
.L_simem_size_0:
called_computation_lowered:
.L_overlay_start_0:
0x88: {  	s2 =	sld [smem:$0x3FD9]  }
0x89: {  	s3 =	sld [smem:$0x3FFE];
	_ =	sdelay $0x1  }
0x8a: {  	s1 =	srdreg.scid  }
0x8b: {  	s0 =	sand.u32 $0x1, s1  }
0x8c: {  	s17 =	sshll.u32 s0, $0xA;
	s2 =	sadd.s32 s3, s2  }
0x8d: {  	s2 =	sadd.s32 s2, s17  }
0x8e: {  	[smem:$0x3FBD] =	sst s2  }
0x8f: {  	_ = 	snop  }
0x90: {  	s2 =	sld [smem:$0x3FD0];
	(tm) =	ssettm $0x1  }
0x91: {  	s18 =	sld [smem:$0x3FFB];
	_ =	sdelay $0x3  }
0x92: {  	_ =	strace s18  }
0x93: {  	s3 =	sld [smem:$0x3FFC];
	_ =	sdelay $0x3  }
0x94: {  	_ =	strace s3  }
0x95: {  	s3 =	sld [smem:$0x3FFD];
	_ =	sdelay $0x3  }
0x96: {  	_ =	strace s3  }
0x97: {  	_ =	strace $0x8FFFFFFF  }
0x98: {  	s19 =	sld [smem:$0x3FDB];
	_ =	sdelay $0x1  }
0x99: {  	s4 =	simm.s32 $_scs_section_size  }
0x9a: {  	s5 =	simm.s32 $_size__tile_overlayer_lowered;
	s6 =	simm.s32 $_tile_overlayer_lowered  }
0x9b: {  	s22 =	simm.s32 $0x1BFF;
	s21 =	sshll.u32 s6, $0x1;
	s3 =	sadd.s32 s4, s19  }
0x9c: {  	s7 =	simm.s32 $0x0;
	s20 =	sshll.u32 s5, $0x1;
	s5 =	sadd.s32 s21, s3  }
0x9d: {  	[timem:s7], [sflag:s22] =	dma.local [hbm:s5], s20  }
0x9e: {  	_ =	swait.ge [sflag:s22], s20  }
0x9f: {  	s4 =	ssub.s32 $0x0, s20;
	[sflag:s22] =	ssyncset.done $0x0  }
0xa0: {  	[sflag:s22] =	ssyncadd.s32 s4;
	_ =	sdelay $0x1  }
0xa1: {  	s23 =	simm.s32 $0x1B8B  }
0xa2: {  	_ =	swait.ge [sflag:s23], $0x1  }
0xa3: {  	[sflag:s23] =	ssyncset.done $0x0  }
0xa4: {  	s25 =	simm.s32 $0x1B8E;
	s24 =	sld [smem:$0x3FFE];
	[sflag:s23] =	ssyncadd.s32 $0xFFFFFFFF  }
0xa5: {  	s26 =	simm.s32 $execute0_lowered;
	[smem:$0x3FD2] =	sst s25  }
0xa6: {  	s5 =	sshll.u32 s26, $0x1;
	_ =	strace $0x80000046;
	[dreg:$0x1] =	wrdreg $0xFFFFFFFF  }
0xa7: {  	s28 =	simm.s32 $_size_execute0_lowered;
	s3 =	sadd.s32 s3, s5;
	[dreg:$0x0] =	wrdreg $0x0  }
0xa8: {  	s5 =	sshll.u32 s28, $0x1;
	[dreg:$0x2] =	wrdreg s3  }
0xa9: {  	[dreg:$0x3] =	wrdreg s5  }
0xaa: {  	[dreg:$0x4] =	wrdreg $0xC0  }
0xab: {  	_ =	task [dreg:s7], $0x5FFFF  }
0xac: {  	[dreg:$0x1] =	wrdreg $0xFFFFFFFF  }
0xad: {  	[dreg:$0x0] =	wrdreg $0x60  }
0xae: {  	[dreg:$0x2] =	wrdreg s2  }
0xaf: {  	[dreg:$0x3] =	wrdreg s24  }
0xb0: {  	[dreg:$0x4] =	wrdreg $0x93800  }
0xb1: {  	[dreg:$0x5] =	wrdreg $0x9  }
0xb2: {  	_ =	task.clear_ibuf [dreg:s7], $0x6FFFF;
	_ =	strace $0x90000046  }
0xb3: {  	s29 =	simm.s32 $0x9;
	_ =	strace $0x80000048  }
0xb4: {  	_ =	swait.ge [sflag:s29], $0x1  }
0xb5: {  	[sflag:s29] =	ssyncadd.s32 $0xFFFFFFFF  }
0xb6: {  	_ =	strace $0x90000048  }
0xb7: {  	_ =	sfence  }
0xb8: {  	s30 =	sld [smem:$0x0];
	_ =	sdelay $0x2  }
0xb9: {  	s31 =	sshll.u32 s1, $0xD;
	s1 =	sshrl.u32 s1, $0x2  }
0xba: {  	s3 =	sand.u32 $0x4000, s31;
	s1 =	sadd.s32 s1, s30  }
0xbb: {  	s0 =	sor.u32 s3, s0;
	s1 =	sshll.u32 s1, $0x11  }
0xbc: {  	s0 =	sor.u32 s1, s0  }
0xbd: {  	s0 =	sadd.s32 $0x8F2B, s0  }
0xbe: {  	[sflag:s0] =	ssyncadd.remote.s32 $0x1  }
0xbf: {  	_ =	sfence.sel $0xFFFF  }
0xc0: {  	[dreg:$0x0] =	wrdreg $0xFFFFFFFF;
	(pc) =	sbr.abs _section_cstart, $3  }
0xc1: {  	[dreg:$0x1] =	wrdreg $0xFFFFFFFF  }
0xc2: {  	_ =	task.clear_ibuf [dreg:s7], $0x2FFFF;
	_ =	strace $0x9FFFFFFF  }
0xc3: {  	(tm) =	ssettm $0x7FFFFFFF  }
tec
execute0_lowered:
.L_overlay_start_1:
0x0: {  	(tag) =	ssettag $0x1  }
0x1: {  	s0 =	rddreg [dreg:$0x0]  }
0x2: {  	s20 =	rddreg [dreg:$0x1]  }
0x3: {  	s1 =	rddreg [dreg:$0x2];
	s2 =	srdreg.scid;
	s3 =	simm.s32 $0x0  }
0x4: {  	s9 =	stileid.u32;
	s11 =	simm.s32 $0x5500;
	s12 =	simm.s32 $0x1  }
0x5: {  	s13 =	simm.s32 $0x500;
	s14 =	simm.s32 $0x80;
	s15 =	simm.s32 $0xD00  }
0x6: {  	s16 =	simm.s32 $0x100;
	s17 =	simm.s32 $0x1500;
	s18 =	simm.s32 $0x180  }
0x7: {  	s19 =	simm.s32 $0x1D00;
	s28 =	simm.s32 $0x3D00;
	s5 =	smul.u32 $0x3E80, s9  }
0x8: {  	s29 =	simm.s32 $0x400;
	s30 =	simm.s32 $0x4500;
	s23 =	smul.u32 $0xFA00, s9  }
0x9: {  	s31 =	simm.s32 $0x480;
	[dreg:$0x4] =	wrdreg s0;
	s25 =	smul.u32 $0x500, s9  }
0xa: {  	s2 =	sand.u32 $0x1, s2;
	[smem:$0x7FF] =	sst s3;
	s26 =	smul.u32 $0x5000, s9  }
0xb: {  	s6 =	sadd.s32 $0x186B600, s20;
	s24 =	ssub.s32 $0x41, s9;
	s4 =	smul.u32 $0xC3500, s2  }
0xc: {  	_ =	strace $0x80000047;
	s21 =	ssub.s32 $0x2, s2;
	s8 =	smul.u32 $0x5000, s2  }
0xd: {  	[dreg:$0x5] =	wrdreg s6;
	s7 =	sshll.u32 s2, $0x4;
	s2 =	smul.u32 $0x50000, s2  }
0xe: {  	s22 =	sshrl.u32 s21, $0x1;
	s6 =	sshrl.u32 s23, $0x2;
	s7 =	sor.u32 s7, s9  }
0xf: {  	s23 =	simm.s32 $0x2D00;
	s4 =	sadd.s32 s5, s4;
	s5 =	ssub.s32 s21, s22  }
0x10: {  	s7 =	ssub.s32 $0x501, s7;
	s6 =	sadd.s32 s6, s1;
	s2 =	sadd.s32 s26, s2  }
0x11: {  	s21 =	simm.s32 $0x2500;
	s22 =	simm.s32 $0x280;
	s26 =	simm.s32 $0x380  }
0x12: {  	s4 =	sshrl.u32 s4, $0x3;
	s5 =	smax.u32 s5, $0x1;
	s7 =	sshrl.u32 s7, $0x5  }
0x13: {  	[dreg:$0x9] =	wrdreg s2;
	s2 =	simm.s32 $0x0;
	s0 =	sadd.s32 s4, s20  }
0x14: {  	s4 =	sshrl.u32 s24, $0x4;
	[dreg:$0x6] =	wrdreg s5;
	s5 =	sadd.s32 s25, s8  }
0x15: {  	[dreg:$0x7] =	wrdreg s7;
	s20 =	simm.s32 $0x200;
	s5 =	sadd.s32 $0x186A00, s5  }
0x16: {  	s24 =	simm.s32 $0x300;
	s0 =	sadd.s32 $0x1600, s0;
	[dreg:$0x8] =	wrdreg s5  }
0x17: {  	v0 =	vimm.f32 $0.0e+00;
	s25 =	simm.s32 $0x3500;
	[dreg:$0xa] =	wrdreg s0;
	s0 =	simm.s32 $0x4D00  }
.LBB2_1:
0x18: {  	s5 =	simm.s32 $0x40;
	s8 =	simm.s32 $0x0  }
.LBB2_2:
0x19: {  	p0 =	sne.s32 s5, $0xF9C0;
	[tilespmem:s8+$0x5500] =	vst v0;
	s8 =	smov.u32 s5;
	s5 =	sadd.s32 $0x40, s5  }
.Ltmp0:
0x1a: {  	(pc) =	sbr.rel @p0 .LBB2_2-.Ltmp0, $2  }
0x1b: {  	_ =	sdelay $0x2  }
0x1c: {  	s8 =	sshra.s32 s8, $0x2  }
0x1d: {  	p0 =	sne.s32 s4, $0x1  }
.Ltmp1:
0x1e: {  	_ = 	snop;
	(pc) =	sbr.rel @!p0 .LBB2_5-.Ltmp1, $4  }
0x1f: {  	[tilespmem:s8+$0x5500] =	vst v0  }
0x20: {  	[spmem:s6] =	stream.linear.scatter [tilespmem:s11], [sflag:$0x1], $0x3E80, $0x38;
	[tilespmem:$0x156D0] =	vst v63  }
0x21: {  	_ =	swait.ge [sflag:s12], $0x3E80  }
0x22: {  	s5 =	sadd.s32 $0xFFFFFFFF, s4;
	s8 =	smov.u32 s6;
	[sflag:s12] =	ssyncset.done $0x0  }
.LBB2_4:
0x23: {  	p1 =	sne.s32 s5, $0x1;
	[sflag:s12] =	ssyncadd.s32 $0xFFFFC180;
	s8 =	sadd.s32 $0x3E800, s8  }
.Ltmp2:
0x24: {  	s5 =	sadd.s32 $0xFFFFFFFF, s5;
	(pc) =	sbr.rel @p1 .LBB2_4-.Ltmp2, $4  }
0x25: {  	_ = 	snop  }
0x26: {  	[spmem:s8] =	stream.linear.scatter [tilespmem:s11], [sflag:$0x1], $0x3E80, $0x38;
	[tilespmem:$0x156D0] =	vst v63  }
0x27: {  	_ =	swait.ge [sflag:s12], $0x3E80  }
0x28: {  	[sflag:s12] =	ssyncset.done $0x0  }
.LBB2_5:
0x29: {  	[sflag:s12] =	ssyncadd.s32 $0xFFFFC180  }
0x2a: {  	[bflag:$0x0] =	sbarrier.arrive $0xFFFF  }
0x2b: {  	s7 =	rddreg [dreg:$0x8]  }
0x2c: {  	s5 =	rddreg [dreg:$0x4];
	s8 =	sshrl.u32 s7, $0x3  }
0x2d: {  	s5 =	sadd.s32 s5, s8  }
0x2e: {  	[tilespmem:s3], [sflag:$0x1] =	stream.linear.gather [hbm4b:s5+s3], $0x500, $0x38;
	[tilespmem:$0x156D0] =	vst v63  }
0x2f: {  	_ =	swait.ge [sflag:s12], $0x500  }
0x30: {  	s9 =	rddreg [dreg:$0x9]  }
0x31: {  	s8 =	rddreg [dreg:$0x5];
	[sflag:s12] =	ssyncset.done $0x0;
	s10 =	sshrl.u32 s9, $0x3  }
0x32: {  	[sflag:s12] =	ssyncadd.s32 $0xFFFFFB00;
	s5 =	sadd.s32 s8, s10  }
0x33: {  	[tilespmem:s13], [sflag:$0x1] =	stream.linear.gather [hbm4b:s5+s3], $0x5000, $0x38;
	[tilespmem:$0x156D0] =	vst v63  }
0x34: {  	_ =	swait.ge [sflag:s12], $0x5000  }
0x35: {  	[sflag:s12] =	ssyncset.done $0x0  }
0x36: {  	[sflag:s12] =	ssyncadd.s32 $0xFFFFB000  }
0x37: {  	[spmem:s1] =	stream.indirect.scatter.add.f32 [tilespmem:s13], [sflag:$0x1], $0x10, s3, s14, $0xb8;
	[tilespmem:$0x156D0] =	vst v63  }
0x38: {  	_ =	swait.ge [sflag:s12], $0x800  }
0x39: {  	[sflag:s12] =	ssyncset.done $0x0  }
0x3a: {  	[sflag:s12] =	ssyncadd.s32 $0xFFFFF800  }
0x3b: {  	[spmem:s1] =	stream.indirect.scatter.add.f32 [tilespmem:s15], [sflag:$0x1], $0x10, s14, s14, $0xb8;
	[tilespmem:$0x156D0] =	vst v63  }
0x3c: {  	_ =	swait.ge [sflag:s12], $0x800  }
0x3d: {  	[sflag:s12] =	ssyncset.done $0x0  }
0x3e: {  	[sflag:s12] =	ssyncadd.s32 $0xFFFFF800  }
0x3f: {  	[spmem:s1] =	stream.indirect.scatter.add.f32 [tilespmem:s17], [sflag:$0x1], $0x10, s16, s14, $0xb8;
	[tilespmem:$0x156D0] =	vst v63  }
0x40: {  	_ =	swait.ge [sflag:s12], $0x800  }
0x41: {  	[sflag:s12] =	ssyncset.done $0x0  }
0x42: {  	[sflag:s12] =	ssyncadd.s32 $0xFFFFF800  }
0x43: {  	[spmem:s1] =	stream.indirect.scatter.add.f32 [tilespmem:s19], [sflag:$0x1], $0x10, s18, s14, $0xb8;
	[tilespmem:$0x156D0] =	vst v63  }
0x44: {  	_ =	swait.ge [sflag:s12], $0x800  }
0x45: {  	[sflag:s12] =	ssyncset.done $0x0  }
0x46: {  	[sflag:s12] =	ssyncadd.s32 $0xFFFFF800  }
0x47: {  	[spmem:s1] =	stream.indirect.scatter.add.f32 [tilespmem:s21], [sflag:$0x1], $0x10, s20, s14, $0xb8;
	[tilespmem:$0x156D0] =	vst v63  }
0x48: {  	_ =	swait.ge [sflag:s12], $0x800  }
0x49: {  	[sflag:s12] =	ssyncset.done $0x0  }
0x4a: {  	[sflag:s12] =	ssyncadd.s32 $0xFFFFF800  }
0x4b: {  	[spmem:s1] =	stream.indirect.scatter.add.f32 [tilespmem:s23], [sflag:$0x1], $0x10, s22, s14, $0xb8;
	[tilespmem:$0x156D0] =	vst v63  }
0x4c: {  	_ =	swait.ge [sflag:s12], $0x800  }
0x4d: {  	[sflag:s12] =	ssyncset.done $0x0  }
0x4e: {  	[sflag:s12] =	ssyncadd.s32 $0xFFFFF800  }
0x4f: {  	[spmem:s1] =	stream.indirect.scatter.add.f32 [tilespmem:s25], [sflag:$0x1], $0x10, s24, s14, $0xb8;
	[tilespmem:$0x156D0] =	vst v63  }
0x50: {  	_ =	swait.ge [sflag:s12], $0x800  }
0x51: {  	[sflag:s12] =	ssyncset.done $0x0  }
0x52: {  	[sflag:s12] =	ssyncadd.s32 $0xFFFFF800  }
0x53: {  	[spmem:s1] =	stream.indirect.scatter.add.f32 [tilespmem:s28], [sflag:$0x1], $0x10, s26, s14, $0xb8;
	[tilespmem:$0x156D0] =	vst v63  }
0x54: {  	_ =	swait.ge [sflag:s12], $0x800  }
0x55: {  	[sflag:s12] =	ssyncset.done $0x0  }
0x56: {  	[sflag:s12] =	ssyncadd.s32 $0xFFFFF800  }
0x57: {  	[spmem:s1] =	stream.indirect.scatter.add.f32 [tilespmem:s30], [sflag:$0x1], $0x10, s29, s14, $0xb8;
	[tilespmem:$0x156D0] =	vst v63  }
0x58: {  	_ =	swait.ge [sflag:s12], $0x800  }
0x59: {  	s10 =	rddreg [dreg:$0x7]  }
0x5a: {  	p1 =	sne.s32 s10, $0x1  }
.Ltmp3:
0x5b: {  	_ = 	snop;
	(pc) =	sbr.rel @!p1 .LBB2_7-.Ltmp3, $4  }
0x5c: {  	[sflag:s12] =	ssyncset.done $0x0  }
0x5d: {  	[sflag:s12] =	ssyncadd.s32 $0xFFFFF800  }
0x5e: {  	[spmem:s1] =	stream.indirect.scatter.add.f32 [tilespmem:s0], [sflag:$0x1], $0x10, s31, s14, $0xb8;
	[tilespmem:$0x156D0] =	vst v63  }
0x5f: {  	s8 =	smov.u32 s7;
	s5 =	sadd.s32 $0xFFFFFFFF, s10;
	_ =	swait.ge [sflag:s12], $0x800  }
.LBB2_6:
0x60: {  	s8 =	sadd.s32 $0xA000, s8  }
0x61: {  	s10 =	rddreg [dreg:$0x4];
	[sflag:s12] =	ssyncset.done $0x0;
	s7 =	sshrl.u32 s8, $0x3  }
0x62: {  	[sflag:s12] =	ssyncadd.s32 $0xFFFFF800;
	s7 =	sadd.s32 s10, s7  }
0x63: {  	[tilespmem:s3], [sflag:$0x1] =	stream.linear.gather [hbm4b:s7+s3], $0x500, $0x38;
	[tilespmem:$0x156D0] =	vst v63  }
0x64: {  	s9 =	sadd.s32 $0xA0000, s9;
	_ =	swait.ge [sflag:s12], $0x500  }
0x65: {  	s10 =	sshrl.u32 s9, $0x3;
	s7 =	rddreg [dreg:$0x5];
	[sflag:s12] =	ssyncset.done $0x0  }
0x66: {  	[sflag:s12] =	ssyncadd.s32 $0xFFFFFB00;
	s7 =	sadd.s32 s7, s10  }
0x67: {  	[tilespmem:s13], [sflag:$0x1] =	stream.linear.gather [hbm4b:s7+s3], $0x5000, $0x38;
	[tilespmem:$0x156D0] =	vst v63  }
0x68: {  	_ =	swait.ge [sflag:s12], $0x5000  }
0x69: {  	[sflag:s12] =	ssyncset.done $0x0  }
0x6a: {  	[sflag:s12] =	ssyncadd.s32 $0xFFFFB000  }
0x6b: {  	[spmem:s1] =	stream.indirect.scatter.add.f32 [tilespmem:s13], [sflag:$0x1], $0x10, s3, s14, $0xb8;
	[tilespmem:$0x156D0] =	vst v63  }
0x6c: {  	_ =	swait.ge [sflag:s12], $0x800  }
0x6d: {  	[sflag:s12] =	ssyncset.done $0x0  }
0x6e: {  	[sflag:s12] =	ssyncadd.s32 $0xFFFFF800  }
0x6f: {  	[spmem:s1] =	stream.indirect.scatter.add.f32 [tilespmem:s15], [sflag:$0x1], $0x10, s14, s14, $0xb8;
	[tilespmem:$0x156D0] =	vst v63  }
0x70: {  	_ =	swait.ge [sflag:s12], $0x800  }
0x71: {  	[sflag:s12] =	ssyncset.done $0x0  }
0x72: {  	[sflag:s12] =	ssyncadd.s32 $0xFFFFF800  }
0x73: {  	[spmem:s1] =	stream.indirect.scatter.add.f32 [tilespmem:s17], [sflag:$0x1], $0x10, s16, s14, $0xb8;
	[tilespmem:$0x156D0] =	vst v63  }
0x74: {  	_ =	swait.ge [sflag:s12], $0x800  }
0x75: {  	[sflag:s12] =	ssyncset.done $0x0  }
0x76: {  	[sflag:s12] =	ssyncadd.s32 $0xFFFFF800  }
0x77: {  	[spmem:s1] =	stream.indirect.scatter.add.f32 [tilespmem:s19], [sflag:$0x1], $0x10, s18, s14, $0xb8;
	[tilespmem:$0x156D0] =	vst v63  }
0x78: {  	_ =	swait.ge [sflag:s12], $0x800  }
0x79: {  	[sflag:s12] =	ssyncset.done $0x0  }
0x7a: {  	[sflag:s12] =	ssyncadd.s32 $0xFFFFF800  }
0x7b: {  	[spmem:s1] =	stream.indirect.scatter.add.f32 [tilespmem:s21], [sflag:$0x1], $0x10, s20, s14, $0xb8;
	[tilespmem:$0x156D0] =	vst v63  }
0x7c: {  	_ =	swait.ge [sflag:s12], $0x800  }
0x7d: {  	[sflag:s12] =	ssyncset.done $0x0  }
0x7e: {  	[sflag:s12] =	ssyncadd.s32 $0xFFFFF800  }
0x7f: {  	[spmem:s1] =	stream.indirect.scatter.add.f32 [tilespmem:s23], [sflag:$0x1], $0x10, s22, s14, $0xb8;
	[tilespmem:$0x156D0] =	vst v63  }
0x80: {  	_ =	swait.ge [sflag:s12], $0x800  }
0x81: {  	[sflag:s12] =	ssyncset.done $0x0  }
0x82: {  	[sflag:s12] =	ssyncadd.s32 $0xFFFFF800  }
0x83: {  	[spmem:s1] =	stream.indirect.scatter.add.f32 [tilespmem:s25], [sflag:$0x1], $0x10, s24, s14, $0xb8;
	[tilespmem:$0x156D0] =	vst v63  }
0x84: {  	_ =	swait.ge [sflag:s12], $0x800  }
0x85: {  	[sflag:s12] =	ssyncset.done $0x0  }
0x86: {  	[sflag:s12] =	ssyncadd.s32 $0xFFFFF800  }
0x87: {  	[spmem:s1] =	stream.indirect.scatter.add.f32 [tilespmem:s28], [sflag:$0x1], $0x10, s26, s14, $0xb8;
	[tilespmem:$0x156D0] =	vst v63  }
0x88: {  	_ =	swait.ge [sflag:s12], $0x800  }
0x89: {  	[sflag:s12] =	ssyncset.done $0x0  }
0x8a: {  	p1 =	sne.s32 s5, $0x1;
	[sflag:s12] =	ssyncadd.s32 $0xFFFFF800  }
0x8b: {  	[spmem:s1] =	stream.indirect.scatter.add.f32 [tilespmem:s30], [sflag:$0x1], $0x10, s29, s14, $0xb8;
	[tilespmem:$0x156D0] =	vst v63  }
.Ltmp4:
0x8c: {  	_ =	swait.ge [sflag:s12], $0x800;
	(pc) =	sbr.rel @p1 .LBB2_6-.Ltmp4, $4  }
0x8d: {  	[sflag:s12] =	ssyncset.done $0x0  }
0x8e: {  	[sflag:s12] =	ssyncadd.s32 $0xFFFFF800  }
0x8f: {  	[spmem:s1] =	stream.indirect.scatter.add.f32 [tilespmem:s0], [sflag:$0x1], $0x10, s31, s14, $0xb8;
	[tilespmem:$0x156D0] =	vst v63  }
0x90: {  	s5 =	sadd.s32 $0xFFFFFFFF, s5;
	_ =	swait.ge [sflag:s12], $0x800  }
.LBB2_7:
0x91: {  	[sflag:s12] =	ssyncset.done $0x0  }
.Ltmp5:
0x92: {  	s5 =	stileid.u32;
	[sflag:s12] =	ssyncadd.s32 $0xFFFFF800;
	(pc) =	sbr.rel @!p0 .LBB2_9-.Ltmp5, $4  }
0x93: {  	s5 =	sshll.u32 s5, $0x6;
	[bflag:$0x0] =	sbarrier.arrive $0xFFFF  }
0x94: {  	s7 =	sshrl.u32 s6, $0x3;
	s5 =	sor.u32 $0x1C01, s5;
	s10 =	rddreg [dreg:$0xa]  }
0x95: {  	[hbm:s10], [sflag:s5] =	dma.local [spmem:s7], $0x7D0  }
0x96: {  	s8 =	sadd.s32 $0xFFFFFFFF, s4;
	s9 =	sadd.s32 $0x3E800, s6;
	_ =	swait.ge [sflag:s12], $0x7D0  }
.LBB2_8:
0x97: {  	[sflag:s12] =	ssyncset.done $0x0;
	s10 =	sadd.s32 $0x7D00, s10;
	p0 =	sne.s32 s8, $0x1  }
.Ltmp6:
0x98: {  	s7 =	sshrl.u32 s9, $0x3;
	[sflag:s12] =	ssyncadd.s32 $0xFFFFF830;
	(pc) =	sbr.rel @p0 .LBB2_8-.Ltmp6, $3  }
0x99: {  	[hbm:s10], [sflag:s5] =	dma.local [spmem:s7], $0x7D0  }
0x9a: {  	s8 =	sadd.s32 $0xFFFFFFFF, s8;
	_ =	sdelay $0x1  }
0x9b: {  	s9 =	sadd.s32 $0x3E800, s9;
	_ =	swait.ge [sflag:s12], $0x7D0  }
.LBB2_9:
0x9c: {  	s2 =	sadd.s32 $0x1, s2;
	s5 =	rddreg [dreg:$0x6]  }
0x9d: {  	p0 =	sne.s32 s2, s5  }
.Ltmp7:
0x9e: {  	_ = 	snop;
	(pc) =	sbr.rel @p0 .LBB2_1-.Ltmp7, $3  }
0x9f: {  	_ =	sdelay $0x1  }
0xa0: {  	[sflag:s12] =	ssyncset.done $0x0  }
0xa1: {  	[sflag:s12] =	ssyncadd.s32 $0xFFFFF830  }
0xa2: {  	_ =	sfence.sel $0x180000  }
0xa3: {  	[bflag:$0x0] =	sbarrier.arrive $0xFFFF  }
0xa4: {  	_ =	strace $0x90000047  }
0xa5: {  	s0 =	stileid.u32;
	[bflag:$0x2] =	sbarrier.arrive $0xFFFF  }
0xa6: {  	p0 =	sne.s32 s0, $0x0;
	s0 =	rddreg [dreg:$0x3]  }
0xa7: {  	s0 =	sadd.s32 @!p0 $0x100000, s0  }
0xa8: {  	[sflag:s0] =	ssyncadd.tile.s32 @!p0 $0x1;
	_ =	shalt  }
.Lfunc_end2:
_tile_overlayer_lowered:
.L_overlay_start_2:
0xa9: {  	(tag) =	ssettag $0x2  }
0xaa: {  	s0 =	rddreg [dreg:$0x0];
	s2 =	stileid.u32  }
0xab: {  	s1 =	rddreg [dreg:$0x1];
	p0 =	sne.s32 s2, $0x0  }
0xac: {  	s3 =	rddreg [dreg:$0x2];
	[bflag:$0x3] =	sbarrier.arrive $0xFFFF;
	s2 =	simm.s32 @!p0 $0x1C01  }
0xad: {  	[timem:s3], [sflag:s2] =	dma.local @!p0 [hbm:s0], s1  }
0xae: {  	s0 =	simm.s32 @!p0 $0x1  }
0xaf: {  	_ =	swait.ge @!p0 [sflag:s0], s1  }
0xb0: {  	s1 =	ssub.s32 @!p0 $0x0, s1;
	[sflag:s0] =	ssyncset.done @!p0 $0x0  }
0xb1: {  	[sflag:s0] =	ssyncadd.s32 @!p0 s1  }
0xb2: {  	[bflag:$0x3] =	sbarrier.arrive $0xFFFF  }
0xb3: {  	_ =	shalt  }

</sc_bundles>
